<compile_context>
chip_gen: v7x
topology: tpu7x:2x2x1
jax: 0.10.2.dev20260603
libtpu: 0.0.44.dev20260713+nightly
codegen_flags: <defaults>
</compile_context>

<pallas_src>
import functools

import jax
import jax.numpy as jnp
from jax import lax
from jax.experimental import pallas as pl
from jax.experimental.pallas import tpu as pltpu
from jax.experimental.pallas import tpu_sc as plsc

SIZE = 100000
HIDDEN = 128
BATCH = 16384

NC = 2
NS = 16
NW = NC * NS
ISPAN = 3136
ILAST = SIZE - (NW - 1) * ISPAN
IVREGS = BATCH // 16
IUNROLL = 8

CHUNK = 128
MSTEPS = 8
MROWS = BATCH // MSTEPS
CROWS = 2000
CGRID = SIZE // CROWS


@functools.cache
def _make_flags():
    mesh = plsc.VectorSubcoreMesh(core_axis_name="c", subcore_axis_name="s")

    @functools.partial(
        pl.kernel,
        out_type=jax.ShapeDtypeStruct((SIZE,), jnp.float32),
        mesh=mesh,
        scratch_types=[
            pltpu.VMEM((BATCH,), jnp.int32),
            pltpu.VMEM((ISPAN,), jnp.float32),
        ],
        compiler_params=pltpu.CompilerParams(needs_layout_passes=False),
        name="idx_flags",
    )
    def _flags(idx_hbm, flags_out, idx_all, flag_tile):
        wid = lax.axis_index("s") * NC + lax.axis_index("c")
        lo = wid * ISPAN
        hi = jnp.minimum(lo + ISPAN, SIZE)

        zeros = jnp.zeros((16,), jnp.float32)

        def _zero(q):
            flag_tile[pl.ds(q * 16, 16)] = zeros

        plsc.parallel_loop(0, ISPAN // 16, 1, unroll=IUNROLL)(_zero)

        pltpu.sync_copy(idx_hbm, idx_all)
        ones = jnp.ones((16,), jnp.float32)

        def _scan(q):
            iv = idx_all[pl.ds(q * 16, 16)]
            mask = (iv >= lo) & (iv < hi)
            plsc.store_scatter(flag_tile, [iv - lo], ones, mask=mask)

        plsc.parallel_loop(0, IVREGS, 1, unroll=IUNROLL)(_scan)

        @pl.when(wid < NW - 1)
        def _store_full():
            pltpu.sync_copy(flag_tile, flags_out.at[pl.ds(lo, ISPAN)])

        @pl.when(wid == NW - 1)
        def _store_last():
            pltpu.sync_copy(flag_tile.at[pl.ds(0, ILAST)],
                            flags_out.at[pl.ds(lo, ILAST)])

    return _flags


def _means_body(key_ref, value_ref, imp_ref, rows_k_ref, rows_v_ref,
                imp_vals_ref, acc_k, acc_v):
    step = pl.program_id(0)

    @pl.when(step == 0)
    def _init():
        acc_k[...] = jnp.zeros((HIDDEN,), jnp.float32)
        acc_v[...] = jnp.zeros((HIDDEN,), jnp.float32)

    acc_k[...] += jnp.sum(key_ref[...], axis=0)
    acc_v[...] += jnp.sum(value_ref[...], axis=0)

    @pl.when(step == MSTEPS - 1)
    def _fin():
        inv = jnp.float32(1.0 / BATCH)
        rows_k_ref[...] = jnp.broadcast_to(
            (acc_k[...] * inv)[None, :], (CHUNK, HIDDEN))
        rows_v_ref[...] = jnp.broadcast_to(
            (acc_v[...] * inv)[None, :], (CHUNK, HIDDEN))
        imp_vals_ref[...] = jnp.full(
            (CHUNK,), jnp.sum(imp_ref[...]) * inv, jnp.float32)


def _means(key, value, importance):
    return pl.pallas_call(
        _means_body,
        grid=(MSTEPS,),
        in_specs=[
            pl.BlockSpec((MROWS, HIDDEN), lambda i: (i, 0)),
            pl.BlockSpec((MROWS, HIDDEN), lambda i: (i, 0)),
            pl.BlockSpec((BATCH // HIDDEN, HIDDEN), lambda i: (0, 0)),
        ],
        out_specs=[
            pl.BlockSpec((CHUNK, HIDDEN), lambda i: (0, 0)),
            pl.BlockSpec((CHUNK, HIDDEN), lambda i: (0, 0)),
            pl.BlockSpec((CHUNK,), lambda i: (0,)),
        ],
        out_shape=(
            jax.ShapeDtypeStruct((CHUNK, HIDDEN), jnp.float32),
            jax.ShapeDtypeStruct((CHUNK, HIDDEN), jnp.float32),
            jax.ShapeDtypeStruct((CHUNK,), jnp.float32),
        ),
        scratch_shapes=[
            pltpu.VMEM((HIDDEN,), jnp.float32),
            pltpu.VMEM((HIDDEN,), jnp.float32),
        ],
        name="means",
    )(key, value, importance.reshape(BATCH // HIDDEN, HIDDEN))


def _select_body(keys_in, values_in, flags_in, rows_k_ref, rows_v_ref,
                 keys_out, values_out):
    f = flags_in[0, 0, :]
    mask = jnp.broadcast_to(f[:, None], (CROWS, HIDDEN)) > 0.0
    krow = jnp.broadcast_to(rows_k_ref[0:1, :], (CROWS, HIDDEN))
    vrow = jnp.broadcast_to(rows_v_ref[0:1, :], (CROWS, HIDDEN))
    keys_out[...] = jnp.where(mask, krow, keys_in[...])
    values_out[...] = jnp.where(mask, vrow, values_in[...])


def _select(keys_buf, values_buf, flags3, rows_k, rows_v):
    return pl.pallas_call(
        _select_body,
        grid=(CGRID,),
        in_specs=[
            pl.BlockSpec((CROWS, HIDDEN), lambda i: (i, 0)),
            pl.BlockSpec((CROWS, HIDDEN), lambda i: (i, 0)),
            pl.BlockSpec((1, 1, CROWS), lambda i: (i, 0, 0)),
            pl.BlockSpec((8, HIDDEN), lambda i: (0, 0)),
            pl.BlockSpec((8, HIDDEN), lambda i: (0, 0)),
        ],
        out_specs=[
            pl.BlockSpec((CROWS, HIDDEN), lambda i: (i, 0)),
            pl.BlockSpec((CROWS, HIDDEN), lambda i: (i, 0)),
        ],
        out_shape=(
            jax.ShapeDtypeStruct((SIZE, HIDDEN), jnp.float32),
            jax.ShapeDtypeStruct((SIZE, HIDDEN), jnp.float32),
        ),
        name="select",
    )(keys_buf, values_buf, flags3, rows_k, rows_v)


def kernel(keys_buf, values_buf, imp_buf, idx, key, value, importance):
    idx_flat = idx.astype(jnp.int32)
    flags = _make_flags()(idx_flat)
    rows_k, rows_v, imp_vals = _means(key, value, importance)
    keys_new, values_new = _select(
        keys_buf, values_buf, flags.reshape(CGRID, 1, CROWS),
        rows_k, rows_v)
    imp_new = jnp.where(flags > 0.0, imp_vals[0], imp_buf)
    return keys_new, values_new, imp_new

# --- scband reference (transcript-rebuilt; emitter-appended) ---
"""Pipeline reference for scband-kvcache-44444321579061 (READ-ONLY COPY).

The authoritative reference and input builder live on the scoring server;
editing this copy changes nothing except your own understanding.
"""

import jax, jax.numpy as jnp
import numpy as np

SIZE = 100000
HIDDEN = 128
BATCH = 16384

def setup_inputs() -> dict:
    key0 = jax.random.key(0)
    k_idx, k_key, k_val, k_imp = jax.random.split(key0, 4)
    keys_buf = jnp.zeros((SIZE, HIDDEN), dtype=jnp.float32)
    values_buf = jnp.zeros((SIZE, HIDDEN), dtype=jnp.float32)
    imp_buf = jnp.zeros((SIZE,), dtype=jnp.float32)
    idx = jax.random.randint(k_idx, (BATCH,), 0, SIZE, dtype=jnp.int64)
    key = jax.random.normal(k_key, (BATCH, HIDDEN), dtype=jnp.float32)
    value = jax.random.normal(k_val, (BATCH, HIDDEN), dtype=jnp.float32)
    importance = jax.random.uniform(k_imp, (BATCH,), dtype=jnp.float32)
    return {"keys_buf": keys_buf, "values_buf": values_buf, "imp_buf": imp_buf,
            "idx": idx, "key": key, "value": value, "importance": importance}

def reference(keys_buf, values_buf, imp_buf, idx, key, value, importance):
    # Faithful translation of KVCache.update for the 2-D (batched) input path:
    #   key/value [B, H] -> mean over dim 0 -> [H]; importance [B] -> mean -> scalar
    #   then scatter-overwrite at slots idx (the single reduced vector broadcasts
    #   to every indexed row, matching torch's self.keys[idx] = key broadcast).
    key_r = jnp.mean(key, axis=0)          # [H]
    value_r = jnp.mean(value, axis=0)      # [H]
    imp_r = jnp.mean(importance)           # scalar
    key_r = jnp.reshape(key_r, (HIDDEN,))
    value_r = jnp.reshape(value_r, (HIDDEN,))
    keys_new = keys_buf.at[idx].set(key_r)        # scatter-overwrite, broadcast [H] -> [B, H]
    values_new = values_buf.at[idx].set(value_r)  # scatter-overwrite
    imp_new = imp_buf.at[idx].set(imp_r)          # scatter-overwrite scalar -> [B]
    return (keys_new, values_new, imp_new)

if __name__ == "__main__":
    import jax
    _d = setup_inputs()
    print(jax.jit(kernel)(*tuple(_d.values())))

</pallas_src>

<mosaic_0001>
#map = affine_map<(d0, d1) -> (0)>
module attributes {stable_mosaic.version = 14 : i64} {
  func.func @idx_flags(%arg0: i32, %arg1: i32, %arg2: memref<16384xi32, #tpu.memory_space<hbm>>, %arg3: memref<100000xf32, #tpu.memory_space<hbm>>, %arg4: memref<16384xi32, #tpu.memory_space<vmem>>, %arg5: memref<3136xf32, #tpu.memory_space<vmem>>) attributes {dimension_semantics = [#tpu.dimension_semantics<core_parallel>, #tpu.dimension_semantics<subcore_parallel>], iteration_bounds = array<i64: 2, 16>, scalar_prefetch = 0 : i64, scratch_operands = 2 : i64, tpu.core_type = #tpu.core_type<sc_vector_subcore>, window_params = [{transform_indices = #map}, {transform_indices = #map}]} {
    %mul3A = arith.constant 2 : i32
    %mul3A_0 = arith.muli %arg1, %mul3A : i32
    %add3A = arith.addi %mul3A_0, %arg0 : i32
    %mul3A_1 = arith.constant 3136 : i32
    %mul3A_2 = arith.muli %add3A, %mul3A_1 : i32
    %add3A_3 = arith.constant 3136 : i32
    %add3A_4 = arith.addi %mul3A_2, %add3A_3 : i32
    %min3A = arith.constant 100000 : i32
    %min3A_5 = arith.minsi %add3A_4, %min3A : i32
    %broadcast_in_dim3A = arith.constant 0.000000e+00 : f32
    %broadcast_in_dim3A_6 = vector.broadcast %broadcast_in_dim3A : f32 to vector<16xf32>
    %parallel_loop3A = arith.constant 0 : i32
    %parallel_loop3A_7 = arith.constant 196 : i32
    %parallel_loop3A_8 = arith.constant 1 : i32
    scf.for %parallel_loop3A_20 = %parallel_loop3A to %parallel_loop3A_7 step %parallel_loop3A_8  : i32 {
      %parallel_loop3A_21 = arith.constant 16 : i32
      %parallel_loop3A_22 = arith.muli %parallel_loop3A_20, %parallel_loop3A_21 : i32
      %parallel_loop3A_23 = arith.index_cast %parallel_loop3A_22 : i32 to index
      %parallel_loop3A_24 = tpu.vector_load %arg5[%parallel_loop3A_23] {strides = array<i32>} : memref<3136xf32, #tpu.memory_space<vmem>>, vector<16xf32>,
      tpu.vector_store %arg5[%parallel_loop3A_23], %broadcast_in_dim3A_6 {strides = array<i32>} : memref<3136xf32, #tpu.memory_space<vmem>>, vector<16xf32>,
    } {sc.loop_unroll_factor = 8 : i64, sc.parallel_access}
    "tpu.region"() ({
      %run_scoped3A = tpu.sem_alloc : memref<!tpu.dma_semaphore, #tpu.memory_space<semaphore_mem>>
      tpu.enqueue_dma source(%arg2 : memref<16384xi32, #tpu.memory_space<hbm>>) target(%arg4 : memref<16384xi32, #tpu.memory_space<vmem>>) target_semaphore(%run_scoped3A : memref<!tpu.dma_semaphore, #tpu.memory_space<semaphore_mem>>)
      tpu.wait_dma2 semaphore(%run_scoped3A : memref<!tpu.dma_semaphore, #tpu.memory_space<semaphore_mem>>) src(%arg2 : memref<16384xi32, #tpu.memory_space<hbm>>) dst(%arg4 : memref<16384xi32, #tpu.memory_space<vmem>>)
      tpu.yield
    }) : () -> ()
    %broadcast_in_dim3A_9 = arith.constant 1.000000e+00 : f32
    %broadcast_in_dim3A_10 = vector.broadcast %broadcast_in_dim3A_9 : f32 to vector<16xf32>
    %parallel_loop3A_11 = arith.constant 0 : i32
    %parallel_loop3A_12 = arith.constant 1024 : i32
    %parallel_loop3A_13 = arith.constant 1 : i32
    scf.for %parallel_loop3A_20 = %parallel_loop3A_11 to %parallel_loop3A_12 step %parallel_loop3A_13  : i32 {
      %parallel_loop3A_21 = arith.constant 16 : i32
      %parallel_loop3A_22 = arith.muli %parallel_loop3A_20, %parallel_loop3A_21 : i32
      %parallel_loop3A_23 = arith.index_cast %parallel_loop3A_22 : i32 to index
      %parallel_loop3A_24 = tpu.vector_load %arg4[%parallel_loop3A_23] {strides = array<i32>} : memref<16384xi32, #tpu.memory_space<vmem>>, vector<16xi32>,
      %parallel_loop3A_25 = vector.broadcast %mul3A_2 : i32 to vector<16xi32>
      %parallel_loop3A_26 = arith.cmpi sge, %parallel_loop3A_24, %parallel_loop3A_25 : vector<16xi32>
      %parallel_loop3A_27 = vector.broadcast %min3A_5 : i32 to vector<16xi32>
      %parallel_loop3A_28 = arith.cmpi slt, %parallel_loop3A_24, %parallel_loop3A_27 : vector<16xi32>
      %parallel_loop3A_29 = arith.andi %parallel_loop3A_26, %parallel_loop3A_28 : vector<16xi1>
      %parallel_loop3A_30 = vector.broadcast %mul3A_2 : i32 to vector<16xi32>
      %parallel_loop3A_31 = arith.subi %parallel_loop3A_24, %parallel_loop3A_30 : vector<16xi32>
      tpu.vector_store_idx %arg5[%parallel_loop3A_31], %broadcast_in_dim3A_10 masked %parallel_loop3A_29 : memref<3136xf32, #tpu.memory_space<vmem>>[vector<16xi32>], vector<16xf32>, vector<16xi1>
    } {sc.loop_unroll_factor = 8 : i64, sc.parallel_access}
    %lt3A = arith.constant 31 : i32
    %lt3A_14 = arith.cmpi slt, %add3A, %lt3A : i32
    %convert_element_type3A = arith.extui %lt3A_14 : i1 to i32
    %cond3A = arith.constant 0 : i32
    %cond3A_15 = arith.cmpi ne, %convert_element_type3A, %cond3A : i32
    scf.if %cond3A_15 {
      "tpu.region"() ({
        %run_scoped3A = tpu.sem_alloc : memref<!tpu.dma_semaphore, #tpu.memory_space<semaphore_mem>>
        %dma_start3A = tpu.memref_slice %arg3[%mul3A_2] : memref<100000xf32, #tpu.memory_space<hbm>> -> memref<3136xf32, #tpu.memory_space<hbm>>
        %dma_start3A_20 = tpu.memref_slice %arg3[%mul3A_2] : memref<100000xf32, #tpu.memory_space<hbm>> -> memref<3136xf32, #tpu.memory_space<hbm>>
        tpu.enqueue_dma source(%arg5 : memref<3136xf32, #tpu.memory_space<vmem>>) target(%dma_start3A_20 : memref<3136xf32, #tpu.memory_space<hbm>>) target_semaphore(%run_scoped3A : memref<!tpu.dma_semaphore, #tpu.memory_space<semaphore_mem>>)
        %dma_wait3A = tpu.memref_slice %arg3[%mul3A_2] : memref<100000xf32, #tpu.memory_space<hbm>> -> memref<3136xf32, #tpu.memory_space<hbm>>
        %dma_wait3A_21 = tpu.memref_slice %arg3[%mul3A_2] : memref<100000xf32, #tpu.memory_space<hbm>> -> memref<3136xf32, #tpu.memory_space<hbm>>
        tpu.wait_dma2 semaphore(%run_scoped3A : memref<!tpu.dma_semaphore, #tpu.memory_space<semaphore_mem>>) src(%arg5 : memref<3136xf32, #tpu.memory_space<vmem>>) dst(%dma_wait3A_21 : memref<3136xf32, #tpu.memory_space<hbm>>)
        tpu.yield
      }) : () -> ()
    } else {
    }
    %eq3A = arith.constant 31 : i32
    %eq3A_16 = arith.cmpi eq, %add3A, %eq3A : i32
    %convert_element_type3A_17 = arith.extui %eq3A_16 : i1 to i32
    %cond3A_18 = arith.constant 0 : i32
    %cond3A_19 = arith.cmpi ne, %convert_element_type3A_17, %cond3A_18 : i32
    scf.if %cond3A_19 {
      "tpu.region"() ({
        %run_scoped3A = tpu.sem_alloc : memref<!tpu.dma_semaphore, #tpu.memory_space<semaphore_mem>>
        %dma_start3A = arith.constant 0 : i32
        %dma_start3A_20 = tpu.memref_slice %arg5[%dma_start3A] : memref<3136xf32, #tpu.memory_space<vmem>> -> memref<2784xf32, #tpu.memory_space<vmem>>
        %dma_start3A_21 = tpu.memref_slice %arg3[%mul3A_2] : memref<100000xf32, #tpu.memory_space<hbm>> -> memref<2784xf32, #tpu.memory_space<hbm>>
        %dma_start3A_22 = tpu.memref_slice %arg3[%mul3A_2] : memref<100000xf32, #tpu.memory_space<hbm>> -> memref<2784xf32, #tpu.memory_space<hbm>>
        %dma_start3A_23 = arith.constant 0 : i32
        %dma_start3A_24 = tpu.memref_slice %arg5[%dma_start3A_23] : memref<3136xf32, #tpu.memory_space<vmem>> -> memref<2784xf32, #tpu.memory_space<vmem>>
        tpu.enqueue_dma source(%dma_start3A_24 : memref<2784xf32, #tpu.memory_space<vmem>>) target(%dma_start3A_22 : memref<2784xf32, #tpu.memory_space<hbm>>) target_semaphore(%run_scoped3A : memref<!tpu.dma_semaphore, #tpu.memory_space<semaphore_mem>>)
        %dma_wait3A = arith.constant 0 : i32
        %dma_wait3A_25 = tpu.memref_slice %arg5[%dma_wait3A] : memref<3136xf32, #tpu.memory_space<vmem>> -> memref<2784xf32, #tpu.memory_space<vmem>>
        %dma_wait3A_26 = tpu.memref_slice %arg3[%mul3A_2] : memref<100000xf32, #tpu.memory_space<hbm>> -> memref<2784xf32, #tpu.memory_space<hbm>>
        %dma_wait3A_27 = tpu.memref_slice %arg3[%mul3A_2] : memref<100000xf32, #tpu.memory_space<hbm>> -> memref<2784xf32, #tpu.memory_space<hbm>>
        %dma_wait3A_28 = arith.constant 0 : i32
        %dma_wait3A_29 = tpu.memref_slice %arg5[%dma_wait3A_28] : memref<3136xf32, #tpu.memory_space<vmem>> -> memref<2784xf32, #tpu.memory_space<vmem>>
        tpu.wait_dma2 semaphore(%run_scoped3A : memref<!tpu.dma_semaphore, #tpu.memory_space<semaphore_mem>>) src(%dma_wait3A_29 : memref<2784xf32, #tpu.memory_space<vmem>>) dst(%dma_wait3A_27 : memref<2784xf32, #tpu.memory_space<hbm>>)
        tpu.yield
      }) : () -> ()
    } else {
    }
    return
  }
}

module attributes {stable_mosaic.version = 14 : i64} {
  func.func @select(%arg0: i32, %arg1: memref<2000x128xf32, #tpu.memory_space<vmem>>, %arg2: memref<2000x128xf32, #tpu.memory_space<vmem>>, %arg3: memref<1x1x2000xf32, #tpu.memory_space<vmem>>, %arg4: memref<8x128xf32, #tpu.memory_space<vmem>>, %arg5: memref<8x128xf32, #tpu.memory_space<vmem>>, %arg6: memref<2000x128xf32, #tpu.memory_space<vmem>>, %arg7: memref<2000x128xf32, #tpu.memory_space<vmem>>) attributes {dimension_semantics = [#tpu.dimension_semantics<arbitrary>], iteration_bounds = array<i64: 50>, scalar_prefetch = 0 : i64, scratch_operands = 0 : i64, tpu.core_type = #tpu.core_type<tc>, window_params = [{transform_indices = @transform_0, window_bounds = array<i64: 2000, 128>}, {transform_indices = @transform_1, window_bounds = array<i64: 2000, 128>}, {transform_indices = @transform_2, window_bounds = array<i64: 1, 1, 2000>}, {transform_indices = @transform_3, window_bounds = array<i64: 8, 128>}, {transform_indices = @transform_4, window_bounds = array<i64: 8, 128>}, {transform_indices = @transform_5, window_bounds = array<i64: 2000, 128>}, {transform_indices = @transform_6, window_bounds = array<i64: 2000, 128>}]} {
    %get3A = arith.constant 0 : index
    %get3A_0 = arith.constant 0 : index
    %get3A_1 = arith.constant 0 : index
    %get3A_2 = vector.load %arg3[%get3A, %get3A_0, %get3A_1] : memref<1x1x2000xf32, #tpu.memory_space<vmem>>, vector<1x1x2000xf32>
    %get3A_3 = vector.shape_cast %get3A_2 : vector<1x1x2000xf32> to vector<2000xf32>
    %broadcast_in_dim3A = vector.shape_cast %get3A_3 : vector<2000xf32> to vector<2000x1xf32>
    %broadcast_in_dim3A_4 = vector.shape_cast %broadcast_in_dim3A : vector<2000x1xf32> to vector<2000x1xf32>
    %broadcast_in_dim3A_5 = vector.broadcast %broadcast_in_dim3A_4 : vector<2000x1xf32> to vector<2000x128xf32>
    %gt3A = arith.constant 0.000000e+00 : f32
    %gt3A_6 = vector.broadcast %gt3A : f32 to vector<2000x128xf32>
    %gt3A_7 = arith.cmpf ogt, %broadcast_in_dim3A_5, %gt3A_6 : vector<2000x128xf32>
    %get3A_8 = arith.constant 0 : index
    %get3A_9 = arith.constant 0 : index
    %get3A_10 = vector.load %arg4[%get3A_8, %get3A_9] : memref<8x128xf32, #tpu.memory_space<vmem>>, vector<1x128xf32>
    %broadcast_in_dim3A_11 = vector.shape_cast %get3A_10 : vector<1x128xf32> to vector<1x128xf32>
    %broadcast_in_dim3A_12 = vector.broadcast %broadcast_in_dim3A_11 : vector<1x128xf32> to vector<2000x128xf32>
    %get3A_13 = arith.constant 0 : index
    %get3A_14 = arith.constant 0 : index
    %get3A_15 = vector.load %arg5[%get3A_13, %get3A_14] : memref<8x128xf32, #tpu.memory_space<vmem>>, vector<1x128xf32>
    %broadcast_in_dim3A_16 = vector.shape_cast %get3A_15 : vector<1x128xf32> to vector<1x128xf32>
    %broadcast_in_dim3A_17 = vector.broadcast %broadcast_in_dim3A_16 : vector<1x128xf32> to vector<2000x128xf32>
    %get3A_18 = arith.constant 0 : index
    %get3A_19 = arith.constant 0 : index
    %get3A_20 = vector.load %arg1[%get3A_18, %get3A_19] : memref<2000x128xf32, #tpu.memory_space<vmem>>, vector<2000x128xf32>
    %select_n3A = arith.select %gt3A_7, %broadcast_in_dim3A_12, %get3A_20 : vector<2000x128xi1>, vector<2000x128xf32>
    %swap3A = arith.constant 0 : index
    %swap3A_21 = arith.constant 0 : index
    %swap3A_22 = vector.load %arg6[%swap3A, %swap3A_21] : memref<2000x128xf32, #tpu.memory_space<vmem>>, vector<2000x128xf32>
    tpu.vector_store %arg6[%swap3A, %swap3A_21], %select_n3A {strides = array<i32>} : memref<2000x128xf32, #tpu.memory_space<vmem>>, vector<2000x128xf32>,
    %get3A_23 = arith.constant 0 : index
    %get3A_24 = arith.constant 0 : index
    %get3A_25 = vector.load %arg2[%get3A_23, %get3A_24] : memref<2000x128xf32, #tpu.memory_space<vmem>>, vector<2000x128xf32>
    %select_n3A_26 = arith.select %gt3A_7, %broadcast_in_dim3A_17, %get3A_25 : vector<2000x128xi1>, vector<2000x128xf32>
    %swap3A_27 = arith.constant 0 : index
    %swap3A_28 = arith.constant 0 : index
    %swap3A_29 = vector.load %arg7[%swap3A_27, %swap3A_28] : memref<2000x128xf32, #tpu.memory_space<vmem>>, vector<2000x128xf32>
    tpu.vector_store %arg7[%swap3A_27, %swap3A_28], %select_n3A_26 {strides = array<i32>} : memref<2000x128xf32, #tpu.memory_space<vmem>>, vector<2000x128xf32>,
    return
  }
  func.func @transform_0(%arg0: i32) -> (i32, i32) {
    %c0_i32 = arith.constant 0 : i32
    %c0_i32_0 = arith.constant 0 : i32
    return %arg0, %c0_i32 : i32, i32
  }
  func.func @transform_1(%arg0: i32) -> (i32, i32) {
    %c0_i32 = arith.constant 0 : i32
    %c0_i32_0 = arith.constant 0 : i32
    return %arg0, %c0_i32 : i32, i32
  }
  func.func @transform_2(%arg0: i32) -> (i32, i32, i32) {
    %c0_i32 = arith.constant 0 : i32
    %c0_i32_0 = arith.constant 0 : i32
    %c0_i32_1 = arith.constant 0 : i32
    return %arg0, %c0_i32, %c0_i32_0 : i32, i32, i32
  }
  func.func @transform_3(%arg0: i32) -> (i32, i32) {
    %c0_i32 = arith.constant 0 : i32
    %c0_i32_0 = arith.constant 0 : i32
    %c0_i32_1 = arith.constant 0 : i32
    return %c0_i32, %c0_i32_0 : i32, i32
  }
  func.func @transform_4(%arg0: i32) -> (i32, i32) {
    %c0_i32 = arith.constant 0 : i32
    %c0_i32_0 = arith.constant 0 : i32
    %c0_i32_1 = arith.constant 0 : i32
    return %c0_i32, %c0_i32_0 : i32, i32
  }
  func.func @transform_5(%arg0: i32) -> (i32, i32) {
    %c0_i32 = arith.constant 0 : i32
    %c0_i32_0 = arith.constant 0 : i32
    return %arg0, %c0_i32 : i32, i32
  }
  func.func @transform_6(%arg0: i32) -> (i32, i32) {
    %c0_i32 = arith.constant 0 : i32
    %c0_i32_0 = arith.constant 0 : i32
    return %arg0, %c0_i32 : i32, i32
  }
}

module attributes {stable_mosaic.version = 14 : i64} {
  func.func @means(%arg0: i32, %arg1: memref<2048x128xf32, #tpu.memory_space<vmem>>, %arg2: memref<2048x128xf32, #tpu.memory_space<vmem>>, %arg3: memref<128x128xf32, #tpu.memory_space<vmem>>, %arg4: memref<128x128xf32, #tpu.memory_space<vmem>>, %arg5: memref<128x128xf32, #tpu.memory_space<vmem>>, %arg6: memref<128xf32, #tpu.memory_space<vmem>>, %arg7: memref<128xf32, #tpu.memory_space<vmem>>, %arg8: memref<128xf32, #tpu.memory_space<vmem>>) attributes {dimension_semantics = [#tpu.dimension_semantics<arbitrary>], iteration_bounds = array<i64: 8>, scalar_prefetch = 0 : i64, scratch_operands = 2 : i64, tpu.core_type = #tpu.core_type<tc>, window_params = [{transform_indices = @transform_0, window_bounds = array<i64: 2048, 128>}, {transform_indices = @transform_1, window_bounds = array<i64: 2048, 128>}, {pipeline_mode = #tpu.pipeline_mode<synchronous>, transform_indices = @transform_2, window_bounds = array<i64: 128, 128>}, {pipeline_mode = #tpu.pipeline_mode<synchronous>, transform_indices = @transform_3, window_bounds = array<i64: 128, 128>}, {pipeline_mode = #tpu.pipeline_mode<synchronous>, transform_indices = @transform_4, window_bounds = array<i64: 128, 128>}, {pipeline_mode = #tpu.pipeline_mode<synchronous>, transform_indices = @transform_5, window_bounds = array<i64: 128>}]} {
    %eq3A = arith.constant 0 : i32
    %eq3A_0 = arith.cmpi eq, %arg0, %eq3A : i32
    %convert_element_type3A = arith.extui %eq3A_0 : i1 to i32
    %cond3A = arith.constant 0 : i32
    %cond3A_1 = arith.cmpi ne, %convert_element_type3A, %cond3A : i32
    scf.if %cond3A_1 {
      %broadcast_in_dim3A = arith.constant 0.000000e+00 : f32
      %broadcast_in_dim3A_23 = vector.broadcast %broadcast_in_dim3A : f32 to vector<128xf32>
      %swap3A_24 = arith.constant 0 : index
      %swap3A_25 = vector.load %arg7[%swap3A_24] : memref<128xf32, #tpu.memory_space<vmem>>, vector<128xf32>
      tpu.vector_store %arg7[%swap3A_24], %broadcast_in_dim3A_23 {strides = array<i32>} : memref<128xf32, #tpu.memory_space<vmem>>, vector<128xf32>,
      %broadcast_in_dim3A_26 = arith.constant 0.000000e+00 : f32
      %broadcast_in_dim3A_27 = vector.broadcast %broadcast_in_dim3A_26 : f32 to vector<128xf32>
      %swap3A_28 = arith.constant 0 : index
      %swap3A_29 = vector.load %arg8[%swap3A_28] : memref<128xf32, #tpu.memory_space<vmem>>, vector<128xf32>
      tpu.vector_store %arg8[%swap3A_28], %broadcast_in_dim3A_27 {strides = array<i32>} : memref<128xf32, #tpu.memory_space<vmem>>, vector<128xf32>,
    } else {
    }
    %get3A = arith.constant 0 : index
    %get3A_2 = vector.load %arg7[%get3A] : memref<128xf32, #tpu.memory_space<vmem>>, vector<128xf32>
    %get3A_3 = arith.constant 0 : index
    %get3A_4 = arith.constant 0 : index
    %get3A_5 = vector.load %arg1[%get3A_3, %get3A_4] : memref<2048x128xf32, #tpu.memory_space<vmem>>, vector<2048x128xf32>
    %reduce_sum3A = arith.constant dense<0.000000e+00> : vector<128xf32>
    %reduce_sum3A_6 = vector.multi_reduction <add>, %get3A_5, %reduce_sum3A [0] : vector<2048x128xf32> to vector<128xf32>
    %add3A = arith.addf %get3A_2, %reduce_sum3A_6 : vector<128xf32>
    %swap3A = arith.constant 0 : index
    %swap3A_7 = vector.load %arg7[%swap3A] : memref<128xf32, #tpu.memory_space<vmem>>, vector<128xf32>
    tpu.vector_store %arg7[%swap3A], %add3A {strides = array<i32>} : memref<128xf32, #tpu.memory_space<vmem>>, vector<128xf32>,
    %get3A_8 = arith.constant 0 : index
    %get3A_9 = vector.load %arg8[%get3A_8] : memref<128xf32, #tpu.memory_space<vmem>>, vector<128xf32>
    %get3A_10 = arith.constant 0 : index
    %get3A_11 = arith.constant 0 : index
    %get3A_12 = vector.load %arg2[%get3A_10, %get3A_11] : memref<2048x128xf32, #tpu.memory_space<vmem>>, vector<2048x128xf32>
    %reduce_sum3A_13 = arith.constant dense<0.000000e+00> : vector<128xf32>
    %reduce_sum3A_14 = vector.multi_reduction <add>, %get3A_12, %reduce_sum3A_13 [0] : vector<2048x128xf32> to vector<128xf32>
    %add3A_15 = arith.addf %get3A_9, %reduce_sum3A_14 : vector<128xf32>
    %swap3A_16 = arith.constant 0 : index
    %swap3A_17 = vector.load %arg8[%swap3A_16] : memref<128xf32, #tpu.memory_space<vmem>>, vector<128xf32>
    tpu.vector_store %arg8[%swap3A_16], %add3A_15 {strides = array<i32>} : memref<128xf32, #tpu.memory_space<vmem>>, vector<128xf32>,
    %eq3A_18 = arith.constant 7 : i32
    %eq3A_19 = arith.cmpi eq, %arg0, %eq3A_18 : i32
    %convert_element_type3A_20 = arith.extui %eq3A_19 : i1 to i32
    %cond3A_21 = arith.constant 0 : i32
    %cond3A_22 = arith.cmpi ne, %convert_element_type3A_20, %cond3A_21 : i32
    scf.if %cond3A_22 {
      %get3A_23 = arith.constant 0 : index
      %get3A_24 = vector.load %arg7[%get3A_23] : memref<128xf32, #tpu.memory_space<vmem>>, vector<128xf32>
      %mul3A = arith.constant 6.10351563E-5 : f32
      %mul3A_25 = vector.broadcast %mul3A : f32 to vector<128xf32>
      %mul3A_26 = arith.mulf %get3A_24, %mul3A_25 : vector<128xf32>
      %broadcast_in_dim3A = vector.shape_cast %mul3A_26 : vector<128xf32> to vector<1x128xf32>
      %broadcast_in_dim3A_27 = vector.shape_cast %broadcast_in_dim3A : vector<1x128xf32> to vector<1x128xf32>
      %broadcast_in_dim3A_28 = vector.broadcast %broadcast_in_dim3A_27 : vector<1x128xf32> to vector<128x128xf32>
      %swap3A_29 = arith.constant 0 : index
      %swap3A_30 = arith.constant 0 : index
      %swap3A_31 = vector.load %arg4[%swap3A_29, %swap3A_30] : memref<128x128xf32, #tpu.memory_space<vmem>>, vector<128x128xf32>
      tpu.vector_store %arg4[%swap3A_29, %swap3A_30], %broadcast_in_dim3A_28 {strides = array<i32>} : memref<128x128xf32, #tpu.memory_space<vmem>>, vector<128x128xf32>,
      %get3A_32 = arith.constant 0 : index
      %get3A_33 = vector.load %arg8[%get3A_32] : memref<128xf32, #tpu.memory_space<vmem>>, vector<128xf32>
      %mul3A_34 = arith.constant 6.10351563E-5 : f32
      %mul3A_35 = vector.broadcast %mul3A_34 : f32 to vector<128xf32>
      %mul3A_36 = arith.mulf %get3A_33, %mul3A_35 : vector<128xf32>
      %broadcast_in_dim3A_37 = vector.shape_cast %mul3A_36 : vector<128xf32> to vector<1x128xf32>
      %broadcast_in_dim3A_38 = vector.shape_cast %broadcast_in_dim3A_37 : vector<1x128xf32> to vector<1x128xf32>
      %broadcast_in_dim3A_39 = vector.broadcast %broadcast_in_dim3A_38 : vector<1x128xf32> to vector<128x128xf32>
      %swap3A_40 = arith.constant 0 : index
      %swap3A_41 = arith.constant 0 : index
      %swap3A_42 = vector.load %arg5[%swap3A_40, %swap3A_41] : memref<128x128xf32, #tpu.memory_space<vmem>>, vector<128x128xf32>
      tpu.vector_store %arg5[%swap3A_40, %swap3A_41], %broadcast_in_dim3A_39 {strides = array<i32>} : memref<128x128xf32, #tpu.memory_space<vmem>>, vector<128x128xf32>,
      %get3A_43 = arith.constant 0 : index
      %get3A_44 = arith.constant 0 : index
      %get3A_45 = vector.load %arg3[%get3A_43, %get3A_44] : memref<128x128xf32, #tpu.memory_space<vmem>>, vector<128x128xf32>
      %reduce_sum3A_46 = vector.shape_cast %get3A_45 : vector<128x128xf32> to vector<1x128x128xf32>
      %reduce_sum3A_47 = arith.constant dense<0.000000e+00> : vector<1xf32>
      %reduce_sum3A_48 = vector.multi_reduction <add>, %reduce_sum3A_46, %reduce_sum3A_47 [1, 2] : vector<1x128x128xf32> to vector<1xf32>
      %reduce_sum3A_49 = vector.shape_cast %reduce_sum3A_48 : vector<1xf32> to vector<1x1x1xf32>
      %reduce_sum3A_50 = vector.extract %reduce_sum3A_49[0, 0, 0] : f32 from vector<1x1x1xf32>
      %mul3A_51 = arith.constant 6.10351563E-5 : f32
      %mul3A_52 = arith.mulf %reduce_sum3A_50, %mul3A_51 : f32
      %broadcast_in_dim3A_53 = vector.broadcast %mul3A_52 : f32 to vector<128xf32>
      %swap3A_54 = arith.constant 0 : index
      %swap3A_55 = vector.load %arg6[%swap3A_54] : memref<128xf32, #tpu.memory_space<vmem>>, vector<128xf32>
      tpu.vector_store %arg6[%swap3A_54], %broadcast_in_dim3A_53 {strides = array<i32>} : memref<128xf32, #tpu.memory_space<vmem>>, vector<128xf32>,
    } else {
    }
    return
  }
  func.func @transform_0(%arg0: i32) -> (i32, i32) {
    %c0_i32 = arith.constant 0 : i32
    %c0_i32_0 = arith.constant 0 : i32
    return %arg0, %c0_i32 : i32, i32
  }
  func.func @transform_1(%arg0: i32) -> (i32, i32) {
    %c0_i32 = arith.constant 0 : i32
    %c0_i32_0 = arith.constant 0 : i32
    return %arg0, %c0_i32 : i32, i32
  }
  func.func @transform_2(%arg0: i32) -> (i32, i32) {
    %c0_i32 = arith.constant 0 : i32
    %c0_i32_0 = arith.constant 0 : i32
    %c0_i32_1 = arith.constant 0 : i32
    return %c0_i32, %c0_i32_0 : i32, i32
  }
  func.func @transform_3(%arg0: i32) -> (i32, i32) {
    %c0_i32 = arith.constant 0 : i32
    %c0_i32_0 = arith.constant 0 : i32
    %c0_i32_1 = arith.constant 0 : i32
    return %c0_i32, %c0_i32_0 : i32, i32
  }
  func.func @transform_4(%arg0: i32) -> (i32, i32) {
    %c0_i32 = arith.constant 0 : i32
    %c0_i32_0 = arith.constant 0 : i32
    %c0_i32_1 = arith.constant 0 : i32
    return %c0_i32, %c0_i32_0 : i32, i32
  }
  func.func @transform_5(%arg0: i32) -> i32 {
    %c0_i32 = arith.constant 0 : i32
    %c0_i32_0 = arith.constant 0 : i32
    return %c0_i32 : i32
  }
}

</mosaic_0001>

<sc_bundles>
// kernel: idx_flags.3.cloned.1.call-start
scs
__scs_entry_jumppad:
0x0: {  	(pc) =	sbr.rel $0x88, $3  }
0x1: {  	(tag) =	ssettag $0x0;
	lr =	simm.s32 $0x1  }
0x2: {  	[smem:$0x3F9A] =	sst lr;
	_ =	strace $0xD0000000  }
0x3: {  	_ = 	snop  }
0x4: {  	_ = 	snop  }
0x5: {  	_ = 	snop  }
0x6: {  	_ = 	snop  }
0x7: {  	_ = 	snop  }
__scs_overlays_trampoline_lowered:
0x8: {  	[smem:$0x3FA9] =	sst s0  }
0x9: {  	[smem:$0x3FAA] =	sst s1  }
0xa: {  	[smem:$0x3FAB] =	sst s2  }
0xb: {  	[smem:$0x3FAC] =	sst s3  }
0xc: {  	[smem:$0x3FAD] =	sst s4  }
0xd: {  	[smem:$0x3FAE] =	sst s5  }
0xe: {  	[smem:$0x3FAF] =	sst s6  }
0xf: {  	[smem:$0x3FB0] =	sst s7  }
0x10: {  	[smem:$0x3FB1] =	sst s8  }
0x11: {  	[smem:$0x3FB2] =	sst s9;
	s0 =	simm.s32 @!p0 $0x0  }
0x12: {  	s1 =	sld [smem:$0x3F98];
	s0 =	simm.s32 @p0 $0x1  }
0x13: {  	[smem:$0x3FB3] =	sst s0;
	s0 =	simm.s32 @!p1 $0x0  }
0x14: {  	s2 =	sld [smem:$0x3F97];
	s0 =	simm.s32 @p1 $0x1  }
0x15: {  	[smem:$0x3FB4] =	sst s0;
	s0 =	simm.s32 @!p2 $0x0  }
0x16: {  	s3 =	sld [smem:$0x3FDB];
	s0 =	simm.s32 @p2 $0x1  }
0x17: {  	s4 =	simm.s32 $0x1BF5;
	[smem:$0x3FB6] =	sst s0  }
0x18: {  	s0 =	sld [smem:$0x3F99];
	_ =	swait.ge [sflag:s4], $0x0  }
0x19: {  	s7 =	sld [smem:$0x3F9A]  }
0x1a: {  	s8 =	sadd.s32 $0xFFFFE003, lr  }
0x1b: {  	s9 =	sadd.s32 $0xFFFFFEF7, lr;
	s5 =	simm.s32 $0xFFFFFFFF;
	p2 =	slt.u32 s8, $0xFFFFF086  }
0x1c: {  	p1 =	slt.u32 s9, $0xF7A;
	s5 =	simm.s32 @!p2 $0x0  }
0x1d: {  	s5 =	simm.s32 @p1 $0x1;
	p0 =	seq.s32 s7, s2  }
0x1e: {  	s7 =	smul.u32 @!p0 $0xF7A, s2;
	p2 =	seq.s32 @!p0 s5, $0x0  }
0x1f: {  	s9 =	smul.u32 $0xF7A, s1;
	s8 =	simm.s32 @!p0 $0x1BF5;
	p2 =	por !p2, p0  }
0x20: {  	[sflag:s8] =	ssyncset.s32 @!p0 $0xFFFFF086;
	s6 =	sadd.s32 @!p0 s3, s7;
	s7 =	simm.s32 @!p0 $0x108  }
0x21: {  	s3 =	sadd.s32 s3, s9;
	s6 =	sadd.s32 @!p0 $0x88, s6;
	s7 =	simm.s32 @p2 $0x1082  }
0x22: {  	[simem:s7], [sflag:s8] =	dma.local @!p0 [hbm:s6], $0xF7A  }
0x23: {  	s9 =	sor.u32 $0xD0000000, s2;
	s6 =	simm.s32 $0x108;
	_ =	swait.ge @!p0 [sflag:s8], $0x0  }
0x24: {  	s3 =	sadd.s32 $0x88, s3;
	s6 =	simm.s32 @!p1 $0x1082;
	[sflag:s4] =	ssyncset.s32 $0xFFFFF086  }
0x25: {  	[simem:s6], [sflag:s4] =	dma.local [hbm:s3], $0xF7A  }
0x26: {  	[smem:$0x3F9A] =	sst s1;
	(tag) =	ssettag s2;
	_ =	strace s9  }
0x27: {  	s1 =	sld [smem:$0x3FAA]  }
0x28: {  	s2 =	sld [smem:$0x3FAB]  }
0x29: {  	s4 =	sld [smem:$0x3FAD]  }
0x2a: {  	p0 =	seq.s32 s5, $0x0;
	s5 =	sld [smem:$0x3FAE]  }
0x2b: {  	s6 =	sld [smem:$0x3FAF]  }
0x2c: {  	s7 =	sld [smem:$0x3FB0]  }
0x2d: {  	s3 =	simm.s32 $0x108;
	s8 =	sld [smem:$0x3FB1]  }
0x2e: {  	s3 =	simm.s32 @!p0 $0x1082;
	s9 =	sld [smem:$0x3FB2]  }
0x2f: {  	lr =	sadd.s32 s0, s3;
	s0 =	sld [smem:$0x3FA9]  }
0x30: {  	s3 =	sld [smem:$0x3FAC]  }
0x31: {  	[smem:$0x3FB5] =	sst s10  }
0x32: {  	s10 =	sld [smem:$0x3FB3];
	_ =	sdelay $0x3  }
0x33: {  	p0 =	seq.s32 s10, $0x1;
	s10 =	sld [smem:$0x3FB5];
	_ =	sdelay $0x3  }
0x34: {  	[smem:$0x3FB5] =	sst s10  }
0x35: {  	s10 =	sld [smem:$0x3FB4];
	_ =	sdelay $0x3  }
0x36: {  	p1 =	seq.s32 s10, $0x1;
	s10 =	sld [smem:$0x3FB5];
	_ =	sdelay $0x3  }
0x37: {  	[smem:$0x3FB5] =	sst s10  }
0x38: {  	s10 =	sld [smem:$0x3FB6]  }
0x39: {  	_ = 	snop;
	(pc) =	sbr.ind lr, $3  }
0x3a: {  	_ = 	snop  }
0x3b: {  	_ = 	snop  }
0x3c: {  	p2 =	seq.s32 s10, $0x1;
	s10 =	sld [smem:$0x3FB5]  }
0x3d: {  	_ =	shalt  }
0x3e: {  	_ =	shalt  }
0x3f: {  	_ =	shalt  }
0x40: {  	_ =	shalt  }
0x41: {  	_ =	shalt  }
0x42: {  	_ =	shalt  }
0x43: {  	_ =	shalt  }
0x44: {  	_ =	shalt  }
0x45: {  	_ =	shalt  }
0x46: {  	_ =	shalt  }
0x47: {  	_ =	shalt  }
0x48: {  	_ =	shalt  }
0x49: {  	_ =	shalt  }
0x4a: {  	_ =	shalt  }
0x4b: {  	_ =	shalt  }
0x4c: {  	_ =	shalt  }
0x4d: {  	_ =	shalt  }
0x4e: {  	_ =	shalt  }
0x4f: {  	_ =	shalt  }
0x50: {  	_ =	shalt  }
0x51: {  	_ =	shalt  }
0x52: {  	_ =	shalt  }
0x53: {  	_ =	shalt  }
0x54: {  	_ =	shalt  }
0x55: {  	_ =	shalt  }
0x56: {  	_ =	shalt  }
0x57: {  	_ =	shalt  }
0x58: {  	_ =	shalt  }
0x59: {  	_ =	shalt  }
0x5a: {  	_ =	shalt  }
0x5b: {  	_ =	shalt  }
0x5c: {  	_ =	shalt  }
0x5d: {  	_ =	shalt  }
0x5e: {  	_ =	shalt  }
0x5f: {  	_ =	shalt  }
0x60: {  	_ =	shalt  }
0x61: {  	_ =	shalt  }
0x62: {  	_ =	shalt  }
0x63: {  	_ =	shalt  }
0x64: {  	_ =	shalt  }
0x65: {  	_ =	shalt  }
0x66: {  	_ =	shalt  }
0x67: {  	_ =	shalt  }
0x68: {  	_ =	shalt  }
0x69: {  	_ =	shalt  }
0x6a: {  	_ =	shalt  }
0x6b: {  	_ =	shalt  }
0x6c: {  	_ =	shalt  }
0x6d: {  	_ =	shalt  }
0x6e: {  	_ =	shalt  }
0x6f: {  	_ =	shalt  }
0x70: {  	_ =	shalt  }
0x71: {  	_ =	shalt  }
0x72: {  	_ =	shalt  }
0x73: {  	_ =	shalt  }
0x74: {  	_ =	shalt  }
0x75: {  	_ =	shalt  }
0x76: {  	_ =	shalt  }
0x77: {  	_ =	shalt  }
0x78: {  	_ =	shalt  }
0x79: {  	_ =	shalt  }
0x7a: {  	_ =	shalt  }
0x7b: {  	_ =	shalt  }
0x7c: {  	_ =	shalt  }
0x7d: {  	_ =	shalt  }
0x7e: {  	_ =	shalt  }
0x7f: {  	_ =	shalt  }
0x80: {  	_ =	shalt  }
0x81: {  	_ =	shalt  }
0x82: {  	_ =	shalt  }
0x83: {  	_ =	shalt  }
0x84: {  	_ =	shalt  }
0x85: {  	_ =	shalt  }
0x86: {  	_ =	shalt  }
0x87: {  	_ =	shalt  }
.Lfunc_end0:
.L_simem_size_0:
called_computation_lowered:
.L_overlay_start_0:
0x88: {  	s2 =	sld [smem:$0x3FD9]  }
0x89: {  	s3 =	sld [smem:$0x3FFE];
	_ =	sdelay $0x1  }
0x8a: {  	s1 =	srdreg.scid  }
0x8b: {  	s0 =	sand.u32 $0x1, s1  }
0x8c: {  	s15 =	sshll.u32 s0, $0xA;
	s2 =	sadd.s32 s3, s2  }
0x8d: {  	s2 =	sadd.s32 s2, s15  }
0x8e: {  	[smem:$0x3FC1] =	sst s2  }
0x8f: {  	_ = 	snop  }
0x90: {  	s2 =	sld [smem:$0x3FD0];
	_ =	sdelay $0x2  }
0x91: {  	s4 =	simm.s32 $0xA;
	s5 =	simm.s32 $0x10;
	s16 =	sld [smem:$0x3FC6]  }
0x92: {  	[smem:s5], [sflag:s4] =	dma.local [hbm:s2], $0x1  }
0x93: {  	_ =	swait.eq [sflag:s4], $0x1  }
0x94: {  	[sflag:s4] =	ssyncset.done $0x0  }
0x95: {  	[sflag:s4] =	ssyncadd.s32 $0xFFFFFFFF  }
0x96: {  	s17 =	sld [smem:$0x12];
	(tm) =	ssettm $0x1  }
0x97: {  	s18 =	sld [smem:$0x3FFB];
	_ =	sdelay $0x3  }
0x98: {  	_ =	strace s18  }
0x99: {  	s4 =	sld [smem:$0x3FFC];
	_ =	sdelay $0x3  }
0x9a: {  	_ =	strace s4  }
0x9b: {  	s4 =	sld [smem:$0x3FFD];
	_ =	sdelay $0x3  }
0x9c: {  	_ =	strace s4  }
0x9d: {  	_ =	strace $0x8FFFFFFF  }
0x9e: {  	s19 =	sld [smem:$0x3FDB];
	_ =	sdelay $0x1  }
0x9f: {  	s20 =	simm.s32 $_scs_section_size  }
0xa0: {  	s6 =	simm.s32 $_size__tile_overlayer_lowered;
	s7 =	simm.s32 $_tile_overlayer_lowered  }
0xa1: {  	s23 =	simm.s32 $0x1BFF;
	s22 =	sshll.u32 s7, $0x1;
	s4 =	sadd.s32 s20, s19  }
0xa2: {  	s8 =	simm.s32 $0x0;
	s21 =	sshll.u32 s6, $0x1;
	s6 =	sadd.s32 s22, s4  }
0xa3: {  	[timem:s8], [sflag:s23] =	dma.local [hbm:s6], s21  }
0xa4: {  	_ =	swait.ge [sflag:s23], s21  }
0xa5: {  	s5 =	ssub.s32 $0x0, s21;
	[sflag:s23] =	ssyncset.done $0x0  }
0xa6: {  	[sflag:s23] =	ssyncadd.s32 s5;
	_ =	sdelay $0x1  }
0xa7: {  	s24 =	simm.s32 $0x1B8B  }
0xa8: {  	_ =	swait.ge [sflag:s24], $0x1  }
0xa9: {  	[sflag:s24] =	ssyncset.done $0x0  }
0xaa: {  	s25 =	simm.s32 $0x1B8E;
	[sflag:s24] =	ssyncadd.s32 $0xFFFFFFFF  }
0xab: {  	s26 =	simm.s32 $execute0_lowered;
	[smem:$0x3FD2] =	sst s25  }
0xac: {  	s5 =	sshll.u32 s26, $0x1;
	_ =	strace $0x80000046;
	[dreg:$0x1] =	wrdreg $0xFFFFFFFF  }
0xad: {  	s28 =	simm.s32 $_size_execute0_lowered;
	s4 =	sadd.s32 s4, s5;
	[dreg:$0x0] =	wrdreg $0x0  }
0xae: {  	s5 =	sshll.u32 s28, $0x1;
	[dreg:$0x2] =	wrdreg s4  }
0xaf: {  	[dreg:$0x3] =	wrdreg s5  }
0xb0: {  	[dreg:$0x4] =	wrdreg $0xC0  }
0xb1: {  	_ =	task [dreg:s8], $0x5FFFF  }
0xb2: {  	[dreg:$0x1] =	wrdreg $0xFFFFFFFF  }
0xb3: {  	[dreg:$0x0] =	wrdreg $0x60  }
0xb4: {  	[dreg:$0x2] =	wrdreg s16  }
0xb5: {  	[dreg:$0x3] =	wrdreg s17  }
0xb6: {  	[dreg:$0x4] =	wrdreg $0x9  }
0xb7: {  	_ =	task.clear_ibuf [dreg:s8], $0x5FFFF;
	_ =	strace $0x90000046  }
0xb8: {  	s29 =	simm.s32 $0x9;
	_ =	strace $0x80000048  }
0xb9: {  	_ =	swait.ge [sflag:s29], $0x1  }
0xba: {  	[sflag:s29] =	ssyncadd.s32 $0xFFFFFFFF  }
0xbb: {  	_ =	strace $0x90000048  }
0xbc: {  	_ =	sfence  }
0xbd: {  	s30 =	sld [smem:$0x0];
	_ =	sdelay $0x2  }
0xbe: {  	s31 =	sshll.u32 s1, $0xD;
	s1 =	sshrl.u32 s1, $0x2  }
0xbf: {  	s3 =	sand.u32 $0x4000, s31;
	s1 =	sadd.s32 s1, s30  }
0xc0: {  	s0 =	sor.u32 s3, s0;
	s1 =	sshll.u32 s1, $0x11  }
0xc1: {  	s0 =	sor.u32 s1, s0  }
0xc2: {  	s0 =	sadd.s32 $0x8F2B, s0  }
0xc3: {  	[sflag:s0] =	ssyncadd.remote.s32 $0x1  }
0xc4: {  	_ =	sfence.sel $0xFFFF  }
0xc5: {  	[dreg:$0x0] =	wrdreg $0xFFFFFFFF;
	(pc) =	sbr.abs _section_cstart, $3  }
0xc6: {  	[dreg:$0x1] =	wrdreg $0xFFFFFFFF  }
0xc7: {  	_ =	task.clear_ibuf [dreg:s8], $0x2FFFF;
	_ =	strace $0x9FFFFFFF  }
0xc8: {  	(tm) =	ssettm $0x7FFFFFFF  }
0xc9: {  	_ =	shalt  }
tec
execute0_lowered:
.L_overlay_start_1:
0x0: {  	(tag) =	ssettag $0x1  }
0x1: {  	s2 =	rddreg [dreg:$0x0];
	s1 =	srdreg.scid  }
0x2: {  	s0 =	stileid.u32;
	s5 =	rddreg [dreg:$0x1]  }
0x3: {  	s4 =	sand.u32 $0x1, s1;
	s3 =	sshll.u32 s0, $0x1;
	s1 =	rddreg [dreg:$0x2]  }
0x4: {  	s9 =	sor.u32 s4, s3;
	s3 =	simm.s32 $0x0;
	s4 =	ssub.s32 $0x2, s4  }
0x5: {  	s6 =	smul.u32 $0xC40, s9;
	[smem:$0x7FF] =	sst s3;
	s7 =	sshrl.u32 s4, $0x1  }
0x6: {  	p0 =	seq.s32 s9, $0x1F;
	s9 =	simm.s32 $0x0;
	s7 =	ssub.s32 s4, s7  }
0x7: {  	_ =	strace $0x80000047;
	s31 =	smin.u32 s6, $0x17A60;
	s8 =	sshrl.u32 s6, $0x3  }
0x8: {  	v0 =	vmov s6;
	s6 =	smax.u32 s7, $0x1;
	s7 =	simm.s32 $0x1;
	s10 =	sadd.s32 $0xC40, s31  }
0x9: {  	v2 =	vimm.f32 $0.0e+00;
	v3 =	vimm.f32 $1.000000000e+00;
	s4 =	sadd.s32 s5, s8;
	s5 =	sadd.s32 $0x2F78, s5;
	s8 =	simm.s32 $0x4000;
	v1 =	vmov s10  }
.LBB2_1:
0xa: {  	s10 =	simm.s32 $0x4040  }
0xb: {  	[tilespmem:s10+$0xFFFFFFC0] =	vst v2  }
0xc: {  	[tilespmem:s10+$0x30] =	vst v2  }
0xd: {  	[tilespmem:s10+$0x20] =	vst v2  }
0xe: {  	[tilespmem:s10+$0x10] =	vst v2  }
0xf: {  	[tilespmem:s10+$0x0] =	vst v2  }
0x10: {  	[tilespmem:s10+$0xFFFFFFF0] =	vst v2  }
0x11: {  	s11 =	simm.s32 $0x0;
	[tilespmem:s10+$0xFFFFFFE0] =	vst v2  }
.LBB2_2:
0x12: {  	s11 =	sadd.s32 $0x8, s11;
	[tilespmem:s10+$0xFFFFFFD0] =	vst v2;
	s10 =	sadd.s32 $0x80, s10  }
0x13: {  	[tilespmem:s10+$0xFFFFFFC0] =	vst v2;
	p1 =	slt.u32 s11, $0xB8  }
0x14: {  	[tilespmem:s10+$0x30] =	vst v2  }
.Ltmp0:
0x15: {  	[tilespmem:s10+$0x20] =	vst v2;
	(pc) =	sbr.rel @p1 .LBB2_2-.Ltmp0, $4  }
0x16: {  	[tilespmem:s10+$0x10] =	vst v2  }
0x17: {  	[tilespmem:s10+$0x0] =	vst v2  }
0x18: {  	[tilespmem:s10+$0xFFFFFFF0] =	vst v2  }
0x19: {  	[tilespmem:s10+$0xFFFFFFE0] =	vst v2  }
0x1a: {  	[tilespmem:s10+$0xFFFFFFD0] =	vst v2;
	s10 =	simm.s32 $0x0  }
.LBB2_4:
0x1b: {  	p1 =	sne.s32 s10, $0xC0  }
.Ltmp1:
0x1c: {  	_ = 	snop;
	(pc) =	sbr.rel @p1 .LBB2_4-.Ltmp1, $3  }
0x1d: {  	_ =	sdelay $0x1  }
0x1e: {  	s11 =	sshra.s32 s10, $0x2  }
0x1f: {  	s10 =	sadd.s32 $0x40, s10;
	[tilespmem:s11+$0x4C00] =	vst v2  }
0x20: {  	[tilespmem:s3], [sflag:$0x1] =	stream.linear.gather [hbm4b:s2+s3], $0x4000, $0x38;
	[tilespmem:$0x4C80] =	vst v63  }
0x21: {  	_ =	swait.ge [sflag:s7], $0x4000  }
0x22: {  	[sflag:s7] =	ssyncset.done $0x0  }
0x23: {  	s10 =	simm.s32 $0x40;
	[sflag:s7] =	ssyncadd.s32 $0xFFFFC000  }
0x24: {  	v4 =	vld [tilespmem:s10+$0xFFFFFFD0]  }
0x25: {  	v5 =	vld [tilespmem:s10+$0x20]  }
0x26: {  	v6 =	vld [tilespmem:s10+$0x0]  }
0x27: {  	v7 =	vld [tilespmem:s10+$0xFFFFFFC0];
	_ =	sdelay $0x1  }
0x28: {  	v8 =	vld [tilespmem:s10+$0x10]  }
0x29: {  	v9 =	vld [tilespmem:s10+$0xFFFFFFF0];
	vm1 =	vge.s32 v4, v0;
	v10 =	vsub.s32 v4, v0  }
0x2a: {  	s11 =	simm.s32 $0xC0;
	v11 =	vld [tilespmem:s10+$0xFFFFFFE0];
	vm3 =	vlt.s32 v4, v1;
	vm0 =	vge.s32 v5, v0;
	vm2 =	vlt.s32 v5, v1  }
0x2b: {  	v12 =	vld [tilespmem:s11+$0xFFFFFFD0];
	v4 =	vsub.s32 v5, v0;
	vm4 =	vlt.s32 v6, v1;
	vm5 =	vge.s32 v7, v0  }
0x2c: {  	v5 =	vld [tilespmem:s10+$0x30];
	vm6 =	vlt.s32 v7, v1;
	vm1 =	vmand vm1, vm3;
	vm3 =	vge.s32 v6, v0  }
0x2d: {  	vm7 =	vge.s32 v8, v0;
	vm8 =	vlt.s32 v8, v1;
	vm4 =	vmand vm3, vm4  }
0x2e: {  	v6 =	vsub.s32 v6, v0;
	vm3 =	vmand vm5, vm6;
	vm6 =	vmand vm7, vm8  }
0x2f: {  	v8 =	vsub.s32 v8, v0;
	v14 =	vsub.s32 v7, v0  }
0x30: {  	v13 =	vld [tilespmem:s11+$0x20];
	vm9 =	vge.s32 v11, v0;
	v15 =	vsub.s32 v9, v0;
	vm14 =	vge.s32 v12, v0  }
0x31: {  	v16 =	vld [tilespmem:s11+$0x0];
	vm0 =	vmand vm0, vm2;
	vm7 =	vge.s32 v5, v0;
	vm8 =	vlt.s32 v5, v1  }
0x32: {  	v7 =	vld [tilespmem:s11+$0xFFFFFFC0];
	vm5 =	vlt.s32 v9, v1;
	vm7 =	vmand vm7, vm8;
	vm8 =	vlt.s32 v11, v1;
	[tilespmem:v10+s8+$0x0] =	vst.idx.msk vm1, v3  }
0x33: {  	v17 =	vsub.s32 v5, v0;
	vm8 =	vmand vm9, vm8;
	vm1 =	vge.s32 v9, v0;
	v10 =	vld [tilespmem:s11+$0x10];
	[tilespmem:v6+s8+$0x0] =	vst.idx.msk vm4, v3  }
0x34: {  	v5 =	vsub.s32 v12, v0;
	v11 =	vsub.s32 v11, v0;
	vm10 =	vmand vm1, vm5;
	[tilespmem:v8+s8+$0x0] =	vst.idx.msk vm6, v3  }
0x35: {  	v6 =	vld [tilespmem:s11+$0xFFFFFFF0];
	vm5 =	vlt.s32 v12, v1;
	vm1 =	vge.s32 v13, v0;
	vm4 =	vlt.s32 v13, v1  }
0x36: {  	v9 =	vld [tilespmem:s11+$0x30];
	v8 =	vsub.s32 v13, v0;
	[tilespmem:v14+s8+$0x0] =	vst.idx.msk vm3, v3;
	vm3 =	vge.s32 v16, v0  }
0x37: {  	vm6 =	vge.s32 v7, v0;
	vm2 =	vmand vm14, vm5;
	vm5 =	vlt.s32 v16, v1  }
0x38: {  	v12 =	vld [tilespmem:s11+$0xFFFFFFE0];
	vm5 =	vmand vm3, vm5;
	[tilespmem:v17+s8+$0x0] =	vst.idx.msk vm7, v3;
	vm7 =	vlt.s32 v7, v1;
	vm15 =	vlt.s32 v10, v1  }
0x39: {  	[tilespmem:v11+s8+$0x0] =	vst.idx.msk vm8, v3;
	v11 =	vsub.s32 v16, v0;
	vm8 =	vge.s32 v10, v0  }
0x3a: {  	s10 =	simm.s32 $0x8;
	s11 =	simm.s32 $0x140;
	vm3 =	vmand vm6, vm7;
	vm7 =	vlt.s32 v6, v1;
	vm6 =	vmand vm8, vm15;
	[tilespmem:v15+s8+$0x0] =	vst.idx.msk vm10, v3  }
.LBB2_6:
0x3b: {  	v13 =	vld [tilespmem:s11+$0xFFFFFFD0];
	s10 =	sadd.s32 $0x8, s10;
	v14 =	vsub.s32 v10, v0;
	vm8 =	vge.s32 v9, v0;
	[tilespmem:v4+s8+$0x0] =	vst.idx.msk vm0, v3;
	vm0 =	vmand vm1, vm4  }
0x3c: {  	v16 =	vsub.s32 v7, v0;
	v17 =	vsub.s32 v6, v0;
	vm1 =	vlt.s32 v9, v1;
	v4 =	vmovc v8;
	v15 =	vld [tilespmem:s11+$0x20];
	p1 =	slt.u32 s10, $0x3F8  }
0x3d: {  	vm8 =	vmand vm8, vm1;
	v18 =	vld [tilespmem:s11+$0x0];
	[tilespmem:v5+s8+$0x0] =	vst.idx.msk vm2, v3;
	vm2 =	vge.s32 v12, v0;
	vm4 =	vlt.s32 v12, v1  }
0x3e: {  	v20 =	vsub.s32 v12, v0;
	v19 =	vld [tilespmem:s11+$0xFFFFFFF0];
	vm9 =	vmand vm2, vm4;
	[tilespmem:v11+s8+$0x0] =	vst.idx.msk vm5, v3;
	v11 =	vsub.s32 v9, v0  }
0x3f: {  	vm1 =	vge.s32 v6, v0;
	v7 =	vld [tilespmem:s11+$0xFFFFFFC0]  }
0x40: {  	vm10 =	vmand vm1, vm7;
	vm2 =	vge.s32 v13, v0;
	v5 =	vsub.s32 v13, v0;
	v10 =	vld [tilespmem:s11+$0x10];
	[tilespmem:v14+s8+$0x0] =	vst.idx.msk vm6, v3  }
0x41: {  	vm5 =	vlt.s32 v13, v1;
	vm1 =	vge.s32 v15, v0;
	vm4 =	vlt.s32 v15, v1  }
.Ltmp2:
0x42: {  	vm2 =	vmand vm2, vm5;
	v8 =	vsub.s32 v15, v0;
	v9 =	vld [tilespmem:s11+$0x30];
	[tilespmem:v16+s8+$0x0] =	vst.idx.msk vm3, v3;
	(pc) =	sbr.rel @p1 .LBB2_6-.Ltmp2, $4  }
0x43: {  	vm3 =	vge.s32 v18, v0;
	vm5 =	vlt.s32 v18, v1;
	[tilespmem:v11+s8+$0x0] =	vst.idx.msk vm8, v3;
	v6 =	vmov v19  }
0x44: {  	vm5 =	vmand vm3, vm5;
	vm6 =	vge.s32 v7, v0;
	vm7 =	vlt.s32 v7, v1;
	v12 =	vld [tilespmem:s11+$0xFFFFFFE0];
	[tilespmem:v20+s8+$0x0] =	vst.idx.msk vm9, v3  }
0x45: {  	v11 =	vsub.s32 v18, v0;
	vm8 =	vge.s32 v10, v0;
	vm9 =	vlt.s32 v10, v1  }
0x46: {  	s11 =	sadd.s32 $0x80, s11;
	vm3 =	vmand vm6, vm7;
	vm7 =	vlt.s32 v6, v1;
	vm6 =	vmand vm8, vm9;
	[tilespmem:v17+s8+$0x0] =	vst.idx.msk vm10, v3  }
0x47: {  	_ =	sdelay $0x2  }
0x48: {  	v10 =	vsub.s32 v10, v0;
	vm8 =	vge.s32 v9, v0  }
0x49: {  	v7 =	vsub.s32 v7, v0;
	vm9 =	vlt.s32 v9, v1;
	vm1 =	vmand vm1, vm4  }
0x4a: {  	[tilespmem:v4+s8+$0x0] =	vst.idx.msk vm0, v3;
	v4 =	vsub.s32 v9, v0;
	vm14 =	vge.s32 v6, v0;
	vm8 =	vmand vm8, vm9  }
0x4b: {  	[tilespmem:v5+s8+$0x0] =	vst.idx.msk vm2, v3;
	vm15 =	vmand vm14, vm7;
	vm10 =	vge.s32 v12, v0;
	vm12 =	vlt.s32 v12, v1  }
0x4c: {  	v63 =	vsub.s32 v6, v0;
	[tilespmem:v11+s8+$0x0] =	vst.idx.msk vm5, v3;
	vm13 =	vmand vm10, vm12  }
0x4d: {  	v5 =	vsub.s32 v12, v0;
	[tilespmem:v10+s8+$0x0] =	vst.idx.msk vm6, v3  }
0x4e: {  	[tilespmem:v7+s8+$0x0] =	vst.idx.msk vm3, v3  }
0x4f: {  	[tilespmem:v8+s8+$0x0] =	vst.idx.msk vm1, v3  }
0x50: {  	[tilespmem:v4+s8+$0x0] =	vst.idx.msk vm8, v3  }
0x51: {  	[tilespmem:v63+s8+$0x0] =	vst.idx.msk vm15, v3  }
0x52: {  	s10 =	simm.s32 @p0 $0x0;
	s11 =	simm.s32 @p0 $0x4000;
	[tilespmem:v5+s8+$0x0] =	vst.idx.msk vm13, v3  }
0x53: {  	[hbm4b:s5+s10] =	stream.linear.scatter @p0 [tilespmem:s11], [sflag:$0x1], $0xAE0, $0x38;
	[tilespmem:$0x4C80] =	vst v63  }
0x54: {  	s10 =	simm.s32 @p0 $0x1  }
0x55: {  	s9 =	sadd.s32 $0x1, s9;
	_ =	swait.ge @p0 [sflag:s10], $0xAE0  }
0x56: {  	p1 =	sne.s32 s9, s6;
	[sflag:s10] =	ssyncset.done @p0 $0x0  }
0x57: {  	s11 =	simm.s32 @!p0 $0x4000;
	[sflag:s10] =	ssyncadd.s32 @p0 $0xFFFFF520;
	s10 =	simm.s32 @!p0 $0x0  }
0x58: {  	[hbm4b:s4+s10] =	stream.linear.scatter @!p0 [tilespmem:s11], [sflag:$0x1], $0xC40, $0x38;
	[tilespmem:$0x4C80] =	vst v63  }
.Ltmp3:
0x59: {  	_ = 	snop;
	(pc) =	sbr.rel @p1 .LBB2_1-.Ltmp3, $4  }
0x5a: {  	s10 =	simm.s32 @!p0 $0x1  }
0x5b: {  	_ =	swait.ge @!p0 [sflag:s10], $0xC40  }
0x5c: {  	[sflag:s10] =	ssyncset.done @!p0 $0x0  }
0x5d: {  	[sflag:s10] =	ssyncadd.s32 @!p0 $0xFFFFF3C0  }
0x5e: {  	_ =	sfence.sel $0x180000  }
0x5f: {  	[bflag:$0x0] =	sbarrier.arrive $0xFFFF  }
0x60: {  	p0 =	sne.s32 s0, $0x0;
	_ =	strace $0x90000047  }
0x61: {  	s0 =	sadd.s32 @!p0 $0x100000, s1;
	[bflag:$0x2] =	sbarrier.arrive $0xFFFF  }
0x62: {  	[sflag:s0] =	ssyncadd.tile.s32 @!p0 $0x1;
	_ =	shalt  }
.Lfunc_end2:
_tile_overlayer_lowered:
.L_overlay_start_2:
0x63: {  	(tag) =	ssettag $0x2  }
0x64: {  	s0 =	rddreg [dreg:$0x0];
	s2 =	stileid.u32  }
0x65: {  	s1 =	rddreg [dreg:$0x1];
	p0 =	sne.s32 s2, $0x0  }
0x66: {  	s3 =	rddreg [dreg:$0x2];
	[bflag:$0x3] =	sbarrier.arrive $0xFFFF;
	s2 =	simm.s32 @!p0 $0x1C01  }
0x67: {  	[timem:s3], [sflag:s2] =	dma.local @!p0 [hbm:s0], s1  }
0x68: {  	s0 =	simm.s32 @!p0 $0x1  }
0x69: {  	_ =	swait.ge @!p0 [sflag:s0], s1  }
0x6a: {  	s1 =	ssub.s32 @!p0 $0x0, s1;
	[sflag:s0] =	ssyncset.done @!p0 $0x0  }
0x6b: {  	[sflag:s0] =	ssyncadd.s32 @!p0 s1  }
0x6c: {  	[bflag:$0x3] =	sbarrier.arrive $0xFFFF  }
0x6d: {  	_ =	shalt  }

</sc_bundles>
